<compile_context>
chip_gen: v7x
topology: tpu7x:2x2x1
jax: 0.10.2.dev20260603
libtpu: 0.0.44.dev20260713+nightly
codegen_flags: <defaults>
</compile_context>

<pallas_src>
import functools

import jax
import jax.numpy as jnp
from jax import lax
from jax.experimental import pallas as pl
from jax.experimental.pallas import tpu as pltpu
from jax.experimental.pallas import tpu_sc as plsc

_CHUNK = 128


def _sc_gather(src, dst, x):
    n_edges = src.shape[0]
    n_chunks = n_edges // _CHUNK
    info = plsc.get_sparse_core_info()
    nc, ns = info.num_cores, info.num_subcores
    nw = nc * ns
    d_feat = x.shape[1]
    mesh = plsc.VectorSubcoreMesh(core_axis_name="c", subcore_axis_name="s")

    @functools.partial(
        pl.kernel,
        mesh=mesh,
        out_type=(
            jax.ShapeDtypeStruct((n_edges, d_feat), jnp.float32),
            jax.ShapeDtypeStruct((n_edges, d_feat), jnp.float32),
        ),
        scratch_types=[
            pltpu.VMEM((_CHUNK,), jnp.int32),
            pltpu.VMEM((_CHUNK,), jnp.int32),
            pltpu.VMEM((_CHUNK, d_feat), jnp.float32),
            pltpu.VMEM((_CHUNK, d_feat), jnp.float32),
            pltpu.SemaphoreType.DMA,
            pltpu.SemaphoreType.DMA,
        ],
    )
    def gather_kernel(src_hbm, dst_hbm, x_hbm, gs_hbm, gd_hbm,
                      idxs, idxd, bufs, bufd, sems, semd):
        wid = lax.axis_index("s") * nc + lax.axis_index("c")
        n_local = (n_chunks - wid + nw - 1) // nw

        def body(i, carry):
            base = (wid + i * nw) * _CHUNK
            pltpu.sync_copy(src_hbm.at[pl.ds(base, _CHUNK)], idxs)
            pltpu.sync_copy(dst_hbm.at[pl.ds(base, _CHUNK)], idxd)
            cs = pltpu.async_copy(x_hbm.at[idxs], bufs, sems)
            cd = pltpu.async_copy(x_hbm.at[idxd], bufd, semd)
            cs.wait()
            cd.wait()
            pltpu.sync_copy(bufs, gs_hbm.at[pl.ds(base, _CHUNK)])
            pltpu.sync_copy(bufd, gd_hbm.at[pl.ds(base, _CHUNK)])
            return carry

        lax.fori_loop(0, n_local, body, 0)

    return gather_kernel(src, dst, x)


def _mlp(gs, gd, ea, w1s, w1d, w1e, b1, w2, b2):
    n_edges = gs.shape[0]
    rows = 1280
    d_feat = gs.shape[1]
    d_edge = ea.shape[1]
    d_hid = w2.shape[0]
    d_out = w2.shape[1]

    def body(gs_ref, gd_ref, ea_ref, w1s_ref, w1d_ref, w1e_ref,
             b1_ref, w2_ref, b2_ref, o_ref):
        z = (jnp.dot(gs_ref[...], w1s_ref[...], preferred_element_type=jnp.float32)
             + jnp.dot(gd_ref[...], w1d_ref[...], preferred_element_type=jnp.float32)
             + jnp.dot(ea_ref[...], w1e_ref[...], preferred_element_type=jnp.float32)
             + b1_ref[...])
        h = jnp.maximum(z, 0.0)
        o_ref[...] = (jnp.dot(h, w2_ref[...], preferred_element_type=jnp.float32)
                      + b2_ref[...])

    return pl.pallas_call(
        body,
        grid=(n_edges // rows,),
        in_specs=[
            pl.BlockSpec((rows, d_feat), lambda i: (i, 0)),
            pl.BlockSpec((rows, d_feat), lambda i: (i, 0)),
            pl.BlockSpec((rows, d_edge), lambda i: (i, 0)),
            pl.BlockSpec((d_feat, d_hid), lambda i: (0, 0)),
            pl.BlockSpec((d_feat, d_hid), lambda i: (0, 0)),
            pl.BlockSpec((d_edge, d_hid), lambda i: (0, 0)),
            pl.BlockSpec((1, d_hid), lambda i: (0, 0)),
            pl.BlockSpec((d_hid, d_out), lambda i: (0, 0)),
            pl.BlockSpec((1, d_out), lambda i: (0, 0)),
        ],
        out_specs=pl.BlockSpec((rows, d_out), lambda i: (i, 0)),
        out_shape=jax.ShapeDtypeStruct((n_edges, d_out), jnp.float32),
    )(gs, gd, ea, w1s, w1d, w1e, b1.reshape(1, -1), w2, b2.reshape(1, -1))


def kernel(x, edge_index, edge_attr, W1, b1, W2, b2):
    ei = edge_index.astype(jnp.int32)
    src = ei[:, 0]
    dst = ei[:, 1]
    gs, gd = _sc_gather(src, dst, x)
    d_feat = x.shape[1]
    return _mlp(gs, gd, edge_attr,
                W1[:d_feat], W1[d_feat:2 * d_feat], W1[2 * d_feat:],
                b1, W2, b2)

# --- scband reference (transcript-rebuilt; emitter-appended) ---
"""Pipeline reference for scband-edge-model-62921270886986 (READ-ONLY COPY).

The authoritative reference and input builder live on the scoring server;
editing this copy changes nothing except your own understanding.
"""

import jax, jax.numpy as jnp
import numpy as np

N_NODES = 10000
N_EDGES = 320000
D_FEAT = 128
D_EDGE = 16
D_IN = D_FEAT * 2 + D_EDGE  # 272
D_HID = 256
D_OUT = 16


def setup_inputs(seed: int = 0) -> dict:
    key = jax.random.key(seed)
    k_x, k_ei, k_ea, k_w1, k_b1, k_w2, k_b2 = jax.random.split(key, 7)
    x = jax.random.normal(k_x, (N_NODES, D_FEAT), dtype=jnp.float32)
    edge_index = jax.random.randint(k_ei, (N_EDGES, 2), 0, N_NODES, dtype=jnp.int64)
    edge_attr = jax.random.normal(k_ea, (N_EDGES, D_EDGE), dtype=jnp.float32)
    # MLP params (Linear(272,256) -> ReLU -> Linear(256,16)), kaiming-uniform-like init
    lim1 = 1.0 / np.sqrt(D_IN)
    lim2 = 1.0 / np.sqrt(D_HID)
    W1 = jax.random.uniform(k_w1, (D_IN, D_HID), minval=-lim1, maxval=lim1, dtype=jnp.float32)
    b1 = jax.random.uniform(k_b1, (D_HID,), minval=-lim1, maxval=lim1, dtype=jnp.float32)
    W2 = jax.random.uniform(k_w2, (D_HID, D_OUT), minval=-lim2, maxval=lim2, dtype=jnp.float32)
    b2 = jax.random.uniform(k_b2, (D_OUT,), minval=-lim2, maxval=lim2, dtype=jnp.float32)
    return {"x": x, "edge_index": edge_index, "edge_attr": edge_attr,
            "W1": W1, "b1": b1, "W2": W2, "b2": b2}


def reference(x, edge_index, edge_attr, W1, b1, W2, b2):
    # edge_index comes in as [E, 2]; torch code permutes (1, 0) -> [2, E]
    ei = jnp.transpose(edge_index, (1, 0))
    sender_features = jnp.take(x, ei[0], axis=0)
    receiver_features = jnp.take(x, ei[1], axis=0)
    edge_inputs = jnp.concatenate([sender_features, receiver_features, edge_attr], axis=-1)
    h = jax.nn.relu(edge_inputs @ W1 + b1)
    return h @ W2 + b2

if __name__ == "__main__":
    import jax
    _d = setup_inputs()
    print(jax.jit(kernel)(*tuple(_d.values())))

</pallas_src>

<mosaic_0001>
#map = affine_map<(d0, d1) -> (0)>
#map1 = affine_map<(d0, d1) -> (0, 0)>
module attributes {stable_mosaic.version = 14 : i64} {
  func.func @gather_kernel(%arg0: i32, %arg1: i32, %arg2: memref<320000xi32, #tpu.memory_space<hbm>>, %arg3: memref<320000xi32, #tpu.memory_space<hbm>>, %arg4: memref<10000x128xf32, #tpu.memory_space<hbm>>, %arg5: memref<320000x128xf32, #tpu.memory_space<hbm>>, %arg6: memref<320000x128xf32, #tpu.memory_space<hbm>>, %arg7: memref<128xi32, #tpu.memory_space<vmem>>, %arg8: memref<128xi32, #tpu.memory_space<vmem>>, %arg9: memref<128x128xf32, #tpu.memory_space<vmem>>, %arg10: memref<128x128xf32, #tpu.memory_space<vmem>>, %arg11: memref<!tpu.dma_semaphore, #tpu.memory_space<semaphore_mem>>, %arg12: memref<!tpu.dma_semaphore, #tpu.memory_space<semaphore_mem>>) attributes {dimension_semantics = [#tpu.dimension_semantics<core_parallel>, #tpu.dimension_semantics<subcore_parallel>], iteration_bounds = array<i64: 2, 16>, scalar_prefetch = 0 : i64, scratch_operands = 6 : i64, tpu.core_type = #tpu.core_type<sc_vector_subcore>, window_params = [{transform_indices = #map}, {transform_indices = #map}, {transform_indices = #map1}, {transform_indices = #map1}, {transform_indices = #map1}]} {
    %mul3A = arith.constant 2 : i32
    %mul3A_0 = arith.muli %arg1, %mul3A : i32
    %add3A = arith.addi %mul3A_0, %arg0 : i32
    %sub3A = arith.constant 2500 : i32
    %sub3A_1 = arith.subi %sub3A, %add3A : i32
    %add3A_2 = arith.constant 32 : i32
    %add3A_3 = arith.addi %sub3A_1, %add3A_2 : i32
    %sub3A_4 = arith.constant 1 : i32
    %sub3A_5 = arith.subi %add3A_3, %sub3A_4 : i32
    %jit3A = arith.constant 32 : i32
    %div3A = arith.divsi %sub3A_5, %jit3A : i32
    %sign3A = arith.constant 0 : i32
    %sign3A_6 = arith.cmpi sgt, %sub3A_5, %sign3A : i32
    %sign3A_7 = arith.extui %sign3A_6 : i1 to i32
    %sign3A_8 = arith.constant 0 : i32
    %sign3A_9 = arith.cmpi slt, %sub3A_5, %sign3A_8 : i32
    %sign3A_10 = arith.extui %sign3A_9 : i1 to i32
    %sign3A_11 = arith.subi %sign3A_7, %sign3A_10 : i32
    %sign3A_12 = arith.constant 0 : i32
    %sign3A_13 = arith.cmpi sgt, %jit3A, %sign3A_12 : i32
    %sign3A_14 = arith.extui %sign3A_13 : i1 to i32
    %sign3A_15 = arith.constant 0 : i32
    %sign3A_16 = arith.cmpi slt, %jit3A, %sign3A_15 : i32
    %sign3A_17 = arith.extui %sign3A_16 : i1 to i32
    %sign3A_18 = arith.subi %sign3A_14, %sign3A_17 : i32
    %ne3A = arith.cmpi ne, %sign3A_11, %sign3A_18 : i32
    %rem3A = arith.remsi %sub3A_5, %jit3A : i32
    %ne3A_19 = arith.constant 0 : i32
    %ne3A_20 = arith.cmpi ne, %rem3A, %ne3A_19 : i32
    %and3A = arith.andi %ne3A, %ne3A_20 : i1
    %sub3A_21 = arith.constant 1 : i32
    %sub3A_22 = arith.subi %div3A, %sub3A_21 : i32
    %select_n3A = arith.select %and3A, %sub3A_22, %div3A : i32
    %while3A = arith.constant 0 : i32
    %while3A_23 = arith.constant 0 : i32
    %while3A_24 = arith.subi %select_n3A, %while3A_23 : i32
    %while3A_25 = arith.addi %while3A_23, %while3A_24 : i32
    %while3A_26 = arith.constant 1 : i32
    %while3A_27 = arith.divsi %while3A_24, %while3A_26 : i32
    %while3A_28 = arith.muli %while3A_27, %while3A_26 : i32
    %while3A_29 = arith.addi %while3A_23, %while3A_28 : i32
    %while3A_30 = arith.constant 1 : i32
    scf.for %while3A_32 = %while3A_23 to %while3A_29 step %while3A_30  : i32 {
      %mul3A_33 = arith.constant 32 : i32
      %mul3A_34 = arith.muli %while3A_32, %mul3A_33 : i32
      %add3A_35 = arith.addi %add3A, %mul3A_34 : i32
      %mul3A_36 = arith.constant 128 : i32
      %mul3A_37 = arith.muli %add3A_35, %mul3A_36 : i32
      "tpu.region"() ({
        %run_scoped3A = tpu.sem_alloc : memref<!tpu.dma_semaphore, #tpu.memory_space<semaphore_mem>>
        %dma_start3A_48 = tpu.memref_slice %arg2[%mul3A_37] : memref<320000xi32, #tpu.memory_space<hbm>> -> memref<128xi32, #tpu.memory_space<hbm>>
        %dma_start3A_49 = tpu.memref_slice %arg2[%mul3A_37] : memref<320000xi32, #tpu.memory_space<hbm>> -> memref<128xi32, #tpu.memory_space<hbm>>
        tpu.enqueue_dma source(%dma_start3A_49 : memref<128xi32, #tpu.memory_space<hbm>>) target(%arg7 : memref<128xi32, #tpu.memory_space<vmem>>) target_semaphore(%run_scoped3A : memref<!tpu.dma_semaphore, #tpu.memory_space<semaphore_mem>>)
        %dma_wait3A_50 = tpu.memref_slice %arg2[%mul3A_37] : memref<320000xi32, #tpu.memory_space<hbm>> -> memref<128xi32, #tpu.memory_space<hbm>>
        %dma_wait3A_51 = tpu.memref_slice %arg2[%mul3A_37] : memref<320000xi32, #tpu.memory_space<hbm>> -> memref<128xi32, #tpu.memory_space<hbm>>
        tpu.wait_dma2 semaphore(%run_scoped3A : memref<!tpu.dma_semaphore, #tpu.memory_space<semaphore_mem>>) src(%dma_wait3A_51 : memref<128xi32, #tpu.memory_space<hbm>>) dst(%arg7 : memref<128xi32, #tpu.memory_space<vmem>>)
        tpu.yield
      }) : () -> ()
      "tpu.region"() ({
        %run_scoped3A = tpu.sem_alloc : memref<!tpu.dma_semaphore, #tpu.memory_space<semaphore_mem>>
        %dma_start3A_48 = tpu.memref_slice %arg3[%mul3A_37] : memref<320000xi32, #tpu.memory_space<hbm>> -> memref<128xi32, #tpu.memory_space<hbm>>
        %dma_start3A_49 = tpu.memref_slice %arg3[%mul3A_37] : memref<320000xi32, #tpu.memory_space<hbm>> -> memref<128xi32, #tpu.memory_space<hbm>>
        tpu.enqueue_dma source(%dma_start3A_49 : memref<128xi32, #tpu.memory_space<hbm>>) target(%arg8 : memref<128xi32, #tpu.memory_space<vmem>>) target_semaphore(%run_scoped3A : memref<!tpu.dma_semaphore, #tpu.memory_space<semaphore_mem>>)
        %dma_wait3A_50 = tpu.memref_slice %arg3[%mul3A_37] : memref<320000xi32, #tpu.memory_space<hbm>> -> memref<128xi32, #tpu.memory_space<hbm>>
        %dma_wait3A_51 = tpu.memref_slice %arg3[%mul3A_37] : memref<320000xi32, #tpu.memory_space<hbm>> -> memref<128xi32, #tpu.memory_space<hbm>>
        tpu.wait_dma2 semaphore(%run_scoped3A : memref<!tpu.dma_semaphore, #tpu.memory_space<semaphore_mem>>) src(%dma_wait3A_51 : memref<128xi32, #tpu.memory_space<hbm>>) dst(%arg8 : memref<128xi32, #tpu.memory_space<vmem>>)
        tpu.yield
      }) : () -> ()
      %dma_start3A = arith.constant 0 : i32
      %dma_start3A_38 = arith.constant 0 : i32
      %dma_start3A_39 = tpu.memref_slice %arg4[%dma_start3A, %dma_start3A_38] : memref<10000x128xf32, #tpu.memory_space<hbm>> -> memref<10000x128xf32, #tpu.memory_space<hbm>>
      tpu.enqueue_indirect_dma source(%dma_start3A_39 : memref<10000x128xf32, #tpu.memory_space<hbm>>) target(%arg9 : memref<128x128xf32, #tpu.memory_space<vmem>>) offsets(%arg7 : memref<128xi32, #tpu.memory_space<vmem>>) semaphore(%arg11 : memref<!tpu.dma_semaphore, #tpu.memory_space<semaphore_mem>>)
      %dma_start3A_40 = arith.constant 0 : i32
      %dma_start3A_41 = arith.constant 0 : i32
      %dma_start3A_42 = tpu.memref_slice %arg4[%dma_start3A_40, %dma_start3A_41] : memref<10000x128xf32, #tpu.memory_space<hbm>> -> memref<10000x128xf32, #tpu.memory_space<hbm>>
      tpu.enqueue_indirect_dma source(%dma_start3A_42 : memref<10000x128xf32, #tpu.memory_space<hbm>>) target(%arg10 : memref<128x128xf32, #tpu.memory_space<vmem>>) offsets(%arg8 : memref<128xi32, #tpu.memory_space<vmem>>) semaphore(%arg12 : memref<!tpu.dma_semaphore, #tpu.memory_space<semaphore_mem>>)
      %dma_wait3A = arith.constant 0 : i32
      %dma_wait3A_43 = arith.constant 0 : i32
      %dma_wait3A_44 = tpu.memref_slice %arg4[%dma_wait3A, %dma_wait3A_43] : memref<10000x128xf32, #tpu.memory_space<hbm>> -> memref<10000x128xf32, #tpu.memory_space<hbm>>
      tpu.wait_indirect_dma semaphore(%arg11 : memref<!tpu.dma_semaphore, #tpu.memory_space<semaphore_mem>>) src(%dma_wait3A_44 : memref<10000x128xf32, #tpu.memory_space<hbm>>) dst(%arg9 : memref<128x128xf32, #tpu.memory_space<vmem>>)
      %dma_wait3A_45 = arith.constant 0 : i32
      %dma_wait3A_46 = arith.constant 0 : i32
      %dma_wait3A_47 = tpu.memref_slice %arg4[%dma_wait3A_45, %dma_wait3A_46] : memref<10000x128xf32, #tpu.memory_space<hbm>> -> memref<10000x128xf32, #tpu.memory_space<hbm>>
      tpu.wait_indirect_dma semaphore(%arg12 : memref<!tpu.dma_semaphore, #tpu.memory_space<semaphore_mem>>) src(%dma_wait3A_47 : memref<10000x128xf32, #tpu.memory_space<hbm>>) dst(%arg10 : memref<128x128xf32, #tpu.memory_space<vmem>>)
      "tpu.region"() ({
        %run_scoped3A = tpu.sem_alloc : memref<!tpu.dma_semaphore, #tpu.memory_space<semaphore_mem>>
        %dma_start3A_48 = arith.constant 0 : i32
        %dma_start3A_49 = tpu.memref_slice %arg5[%mul3A_37, %dma_start3A_48] : memref<320000x128xf32, #tpu.memory_space<hbm>> -> memref<128x128xf32, #tpu.memory_space<hbm>>
        %dma_start3A_50 = arith.constant 0 : i32
        %dma_start3A_51 = tpu.memref_slice %arg5[%mul3A_37, %dma_start3A_50] : memref<320000x128xf32, #tpu.memory_space<hbm>> -> memref<128x128xf32, #tpu.memory_space<hbm>>
        tpu.enqueue_dma source(%arg9 : memref<128x128xf32, #tpu.memory_space<vmem>>) target(%dma_start3A_51 : memref<128x128xf32, #tpu.memory_space<hbm>>) target_semaphore(%run_scoped3A : memref<!tpu.dma_semaphore, #tpu.memory_space<semaphore_mem>>)
        %dma_wait3A_52 = arith.constant 0 : i32
        %dma_wait3A_53 = tpu.memref_slice %arg5[%mul3A_37, %dma_wait3A_52] : memref<320000x128xf32, #tpu.memory_space<hbm>> -> memref<128x128xf32, #tpu.memory_space<hbm>>
        %dma_wait3A_54 = arith.constant 0 : i32
        %dma_wait3A_55 = tpu.memref_slice %arg5[%mul3A_37, %dma_wait3A_54] : memref<320000x128xf32, #tpu.memory_space<hbm>> -> memref<128x128xf32, #tpu.memory_space<hbm>>
        tpu.wait_dma2 semaphore(%run_scoped3A : memref<!tpu.dma_semaphore, #tpu.memory_space<semaphore_mem>>) src(%arg9 : memref<128x128xf32, #tpu.memory_space<vmem>>) dst(%dma_wait3A_55 : memref<128x128xf32, #tpu.memory_space<hbm>>)
        tpu.yield
      }) : () -> ()
      "tpu.region"() ({
        %run_scoped3A = tpu.sem_alloc : memref<!tpu.dma_semaphore, #tpu.memory_space<semaphore_mem>>
        %dma_start3A_48 = arith.constant 0 : i32
        %dma_start3A_49 = tpu.memref_slice %arg6[%mul3A_37, %dma_start3A_48] : memref<320000x128xf32, #tpu.memory_space<hbm>> -> memref<128x128xf32, #tpu.memory_space<hbm>>
        %dma_start3A_50 = arith.constant 0 : i32
        %dma_start3A_51 = tpu.memref_slice %arg6[%mul3A_37, %dma_start3A_50] : memref<320000x128xf32, #tpu.memory_space<hbm>> -> memref<128x128xf32, #tpu.memory_space<hbm>>
        tpu.enqueue_dma source(%arg10 : memref<128x128xf32, #tpu.memory_space<vmem>>) target(%dma_start3A_51 : memref<128x128xf32, #tpu.memory_space<hbm>>) target_semaphore(%run_scoped3A : memref<!tpu.dma_semaphore, #tpu.memory_space<semaphore_mem>>)
        %dma_wait3A_52 = arith.constant 0 : i32
        %dma_wait3A_53 = tpu.memref_slice %arg6[%mul3A_37, %dma_wait3A_52] : memref<320000x128xf32, #tpu.memory_space<hbm>> -> memref<128x128xf32, #tpu.memory_space<hbm>>
        %dma_wait3A_54 = arith.constant 0 : i32
        %dma_wait3A_55 = tpu.memref_slice %arg6[%mul3A_37, %dma_wait3A_54] : memref<320000x128xf32, #tpu.memory_space<hbm>> -> memref<128x128xf32, #tpu.memory_space<hbm>>
        tpu.wait_dma2 semaphore(%run_scoped3A : memref<!tpu.dma_semaphore, #tpu.memory_space<semaphore_mem>>) src(%arg10 : memref<128x128xf32, #tpu.memory_space<vmem>>) dst(%dma_wait3A_55 : memref<128x128xf32, #tpu.memory_space<hbm>>)
        tpu.yield
      }) : () -> ()
    }
    %while3A_31 = arith.constant 1 : i32
    scf.for %while3A_32 = %while3A_29 to %while3A_25 step %while3A_31  : i32 {
      %mul3A_33 = arith.constant 32 : i32
      %mul3A_34 = arith.muli %while3A_32, %mul3A_33 : i32
      %add3A_35 = arith.addi %add3A, %mul3A_34 : i32
      %mul3A_36 = arith.constant 128 : i32
      %mul3A_37 = arith.muli %add3A_35, %mul3A_36 : i32
      "tpu.region"() ({
        %run_scoped3A = tpu.sem_alloc : memref<!tpu.dma_semaphore, #tpu.memory_space<semaphore_mem>>
        %dma_start3A_48 = tpu.memref_slice %arg2[%mul3A_37] : memref<320000xi32, #tpu.memory_space<hbm>> -> memref<128xi32, #tpu.memory_space<hbm>>
        %dma_start3A_49 = tpu.memref_slice %arg2[%mul3A_37] : memref<320000xi32, #tpu.memory_space<hbm>> -> memref<128xi32, #tpu.memory_space<hbm>>
        tpu.enqueue_dma source(%dma_start3A_49 : memref<128xi32, #tpu.memory_space<hbm>>) target(%arg7 : memref<128xi32, #tpu.memory_space<vmem>>) target_semaphore(%run_scoped3A : memref<!tpu.dma_semaphore, #tpu.memory_space<semaphore_mem>>)
        %dma_wait3A_50 = tpu.memref_slice %arg2[%mul3A_37] : memref<320000xi32, #tpu.memory_space<hbm>> -> memref<128xi32, #tpu.memory_space<hbm>>
        %dma_wait3A_51 = tpu.memref_slice %arg2[%mul3A_37] : memref<320000xi32, #tpu.memory_space<hbm>> -> memref<128xi32, #tpu.memory_space<hbm>>
        tpu.wait_dma2 semaphore(%run_scoped3A : memref<!tpu.dma_semaphore, #tpu.memory_space<semaphore_mem>>) src(%dma_wait3A_51 : memref<128xi32, #tpu.memory_space<hbm>>) dst(%arg7 : memref<128xi32, #tpu.memory_space<vmem>>)
        tpu.yield
      }) : () -> ()
      "tpu.region"() ({
        %run_scoped3A = tpu.sem_alloc : memref<!tpu.dma_semaphore, #tpu.memory_space<semaphore_mem>>
        %dma_start3A_48 = tpu.memref_slice %arg3[%mul3A_37] : memref<320000xi32, #tpu.memory_space<hbm>> -> memref<128xi32, #tpu.memory_space<hbm>>
        %dma_start3A_49 = tpu.memref_slice %arg3[%mul3A_37] : memref<320000xi32, #tpu.memory_space<hbm>> -> memref<128xi32, #tpu.memory_space<hbm>>
        tpu.enqueue_dma source(%dma_start3A_49 : memref<128xi32, #tpu.memory_space<hbm>>) target(%arg8 : memref<128xi32, #tpu.memory_space<vmem>>) target_semaphore(%run_scoped3A : memref<!tpu.dma_semaphore, #tpu.memory_space<semaphore_mem>>)
        %dma_wait3A_50 = tpu.memref_slice %arg3[%mul3A_37] : memref<320000xi32, #tpu.memory_space<hbm>> -> memref<128xi32, #tpu.memory_space<hbm>>
        %dma_wait3A_51 = tpu.memref_slice %arg3[%mul3A_37] : memref<320000xi32, #tpu.memory_space<hbm>> -> memref<128xi32, #tpu.memory_space<hbm>>
        tpu.wait_dma2 semaphore(%run_scoped3A : memref<!tpu.dma_semaphore, #tpu.memory_space<semaphore_mem>>) src(%dma_wait3A_51 : memref<128xi32, #tpu.memory_space<hbm>>) dst(%arg8 : memref<128xi32, #tpu.memory_space<vmem>>)
        tpu.yield
      }) : () -> ()
      %dma_start3A = arith.constant 0 : i32
      %dma_start3A_38 = arith.constant 0 : i32
      %dma_start3A_39 = tpu.memref_slice %arg4[%dma_start3A, %dma_start3A_38] : memref<10000x128xf32, #tpu.memory_space<hbm>> -> memref<10000x128xf32, #tpu.memory_space<hbm>>
      tpu.enqueue_indirect_dma source(%dma_start3A_39 : memref<10000x128xf32, #tpu.memory_space<hbm>>) target(%arg9 : memref<128x128xf32, #tpu.memory_space<vmem>>) offsets(%arg7 : memref<128xi32, #tpu.memory_space<vmem>>) semaphore(%arg11 : memref<!tpu.dma_semaphore, #tpu.memory_space<semaphore_mem>>)
      %dma_start3A_40 = arith.constant 0 : i32
      %dma_start3A_41 = arith.constant 0 : i32
      %dma_start3A_42 = tpu.memref_slice %arg4[%dma_start3A_40, %dma_start3A_41] : memref<10000x128xf32, #tpu.memory_space<hbm>> -> memref<10000x128xf32, #tpu.memory_space<hbm>>
      tpu.enqueue_indirect_dma source(%dma_start3A_42 : memref<10000x128xf32, #tpu.memory_space<hbm>>) target(%arg10 : memref<128x128xf32, #tpu.memory_space<vmem>>) offsets(%arg8 : memref<128xi32, #tpu.memory_space<vmem>>) semaphore(%arg12 : memref<!tpu.dma_semaphore, #tpu.memory_space<semaphore_mem>>)
      %dma_wait3A = arith.constant 0 : i32
      %dma_wait3A_43 = arith.constant 0 : i32
      %dma_wait3A_44 = tpu.memref_slice %arg4[%dma_wait3A, %dma_wait3A_43] : memref<10000x128xf32, #tpu.memory_space<hbm>> -> memref<10000x128xf32, #tpu.memory_space<hbm>>
      tpu.wait_indirect_dma semaphore(%arg11 : memref<!tpu.dma_semaphore, #tpu.memory_space<semaphore_mem>>) src(%dma_wait3A_44 : memref<10000x128xf32, #tpu.memory_space<hbm>>) dst(%arg9 : memref<128x128xf32, #tpu.memory_space<vmem>>)
      %dma_wait3A_45 = arith.constant 0 : i32
      %dma_wait3A_46 = arith.constant 0 : i32
      %dma_wait3A_47 = tpu.memref_slice %arg4[%dma_wait3A_45, %dma_wait3A_46] : memref<10000x128xf32, #tpu.memory_space<hbm>> -> memref<10000x128xf32, #tpu.memory_space<hbm>>
      tpu.wait_indirect_dma semaphore(%arg12 : memref<!tpu.dma_semaphore, #tpu.memory_space<semaphore_mem>>) src(%dma_wait3A_47 : memref<10000x128xf32, #tpu.memory_space<hbm>>) dst(%arg10 : memref<128x128xf32, #tpu.memory_space<vmem>>)
      "tpu.region"() ({
        %run_scoped3A = tpu.sem_alloc : memref<!tpu.dma_semaphore, #tpu.memory_space<semaphore_mem>>
        %dma_start3A_48 = arith.constant 0 : i32
        %dma_start3A_49 = tpu.memref_slice %arg5[%mul3A_37, %dma_start3A_48] : memref<320000x128xf32, #tpu.memory_space<hbm>> -> memref<128x128xf32, #tpu.memory_space<hbm>>
        %dma_start3A_50 = arith.constant 0 : i32
        %dma_start3A_51 = tpu.memref_slice %arg5[%mul3A_37, %dma_start3A_50] : memref<320000x128xf32, #tpu.memory_space<hbm>> -> memref<128x128xf32, #tpu.memory_space<hbm>>
        tpu.enqueue_dma source(%arg9 : memref<128x128xf32, #tpu.memory_space<vmem>>) target(%dma_start3A_51 : memref<128x128xf32, #tpu.memory_space<hbm>>) target_semaphore(%run_scoped3A : memref<!tpu.dma_semaphore, #tpu.memory_space<semaphore_mem>>)
        %dma_wait3A_52 = arith.constant 0 : i32
        %dma_wait3A_53 = tpu.memref_slice %arg5[%mul3A_37, %dma_wait3A_52] : memref<320000x128xf32, #tpu.memory_space<hbm>> -> memref<128x128xf32, #tpu.memory_space<hbm>>
        %dma_wait3A_54 = arith.constant 0 : i32
        %dma_wait3A_55 = tpu.memref_slice %arg5[%mul3A_37, %dma_wait3A_54] : memref<320000x128xf32, #tpu.memory_space<hbm>> -> memref<128x128xf32, #tpu.memory_space<hbm>>
        tpu.wait_dma2 semaphore(%run_scoped3A : memref<!tpu.dma_semaphore, #tpu.memory_space<semaphore_mem>>) src(%arg9 : memref<128x128xf32, #tpu.memory_space<vmem>>) dst(%dma_wait3A_55 : memref<128x128xf32, #tpu.memory_space<hbm>>)
        tpu.yield
      }) : () -> ()
      "tpu.region"() ({
        %run_scoped3A = tpu.sem_alloc : memref<!tpu.dma_semaphore, #tpu.memory_space<semaphore_mem>>
        %dma_start3A_48 = arith.constant 0 : i32
        %dma_start3A_49 = tpu.memref_slice %arg6[%mul3A_37, %dma_start3A_48] : memref<320000x128xf32, #tpu.memory_space<hbm>> -> memref<128x128xf32, #tpu.memory_space<hbm>>
        %dma_start3A_50 = arith.constant 0 : i32
        %dma_start3A_51 = tpu.memref_slice %arg6[%mul3A_37, %dma_start3A_50] : memref<320000x128xf32, #tpu.memory_space<hbm>> -> memref<128x128xf32, #tpu.memory_space<hbm>>
        tpu.enqueue_dma source(%arg10 : memref<128x128xf32, #tpu.memory_space<vmem>>) target(%dma_start3A_51 : memref<128x128xf32, #tpu.memory_space<hbm>>) target_semaphore(%run_scoped3A : memref<!tpu.dma_semaphore, #tpu.memory_space<semaphore_mem>>)
        %dma_wait3A_52 = arith.constant 0 : i32
        %dma_wait3A_53 = tpu.memref_slice %arg6[%mul3A_37, %dma_wait3A_52] : memref<320000x128xf32, #tpu.memory_space<hbm>> -> memref<128x128xf32, #tpu.memory_space<hbm>>
        %dma_wait3A_54 = arith.constant 0 : i32
        %dma_wait3A_55 = tpu.memref_slice %arg6[%mul3A_37, %dma_wait3A_54] : memref<320000x128xf32, #tpu.memory_space<hbm>> -> memref<128x128xf32, #tpu.memory_space<hbm>>
        tpu.wait_dma2 semaphore(%run_scoped3A : memref<!tpu.dma_semaphore, #tpu.memory_space<semaphore_mem>>) src(%arg10 : memref<128x128xf32, #tpu.memory_space<vmem>>) dst(%dma_wait3A_55 : memref<128x128xf32, #tpu.memory_space<hbm>>)
        tpu.yield
      }) : () -> ()
    }
    return
  }
}

module attributes {stable_mosaic.version = 14 : i64} {
  func.func @body(%arg0: i32, %arg1: memref<1280x128xf32, #tpu.memory_space<vmem>>, %arg2: memref<1280x128xf32, #tpu.memory_space<vmem>>, %arg3: memref<1280x16xf32, #tpu.memory_space<vmem>>, %arg4: memref<128x256xf32, #tpu.memory_space<vmem>>, %arg5: memref<128x256xf32, #tpu.memory_space<vmem>>, %arg6: memref<16x256xf32, #tpu.memory_space<vmem>>, %arg7: memref<1x256xf32, #tpu.memory_space<vmem>>, %arg8: memref<256x16xf32, #tpu.memory_space<vmem>>, %arg9: memref<1x16xf32, #tpu.memory_space<vmem>>, %arg10: memref<1280x16xf32, #tpu.memory_space<vmem>>) attributes {dimension_semantics = [#tpu.dimension_semantics<arbitrary>], iteration_bounds = array<i64: 250>, scalar_prefetch = 0 : i64, scratch_operands = 0 : i64, tpu.core_type = #tpu.core_type<tc>, window_params = [{transform_indices = @transform_0, window_bounds = array<i64: 1280, 128>}, {transform_indices = @transform_1, window_bounds = array<i64: 1280, 128>}, {transform_indices = @transform_2, window_bounds = array<i64: 1280, 16>}, {pipeline_mode = #tpu.pipeline_mode<synchronous>, transform_indices = @transform_3, window_bounds = array<i64: 128, 256>}, {pipeline_mode = #tpu.pipeline_mode<synchronous>, transform_indices = @transform_4, window_bounds = array<i64: 128, 256>}, {pipeline_mode = #tpu.pipeline_mode<synchronous>, transform_indices = @transform_5, window_bounds = array<i64: 16, 256>}, {pipeline_mode = #tpu.pipeline_mode<synchronous>, transform_indices = @transform_6, window_bounds = array<i64: 1, 256>}, {pipeline_mode = #tpu.pipeline_mode<synchronous>, transform_indices = @transform_7, window_bounds = array<i64: 256, 16>}, {pipeline_mode = #tpu.pipeline_mode<synchronous>, transform_indices = @transform_8, window_bounds = array<i64: 1, 16>}, {transform_indices = @transform_9, window_bounds = array<i64: 1280, 16>}]} {
    %get3A = arith.constant 0 : index
    %get3A_0 = arith.constant 0 : index
    %get3A_1 = vector.load %arg1[%get3A, %get3A_0] : memref<1280x128xf32, #tpu.memory_space<vmem>>, vector<1280x128xf32>
    %get3A_2 = arith.constant 0 : index
    %get3A_3 = arith.constant 0 : index
    %get3A_4 = vector.load %arg4[%get3A_2, %get3A_3] : memref<128x256xf32, #tpu.memory_space<vmem>>, vector<128x256xf32>
    %dot_general3A = arith.constant dense<0.000000e+00> : vector<1280x256xf32>
    %dot_general3A_5 = tpu.matmul %get3A_1, %get3A_4, %dot_general3A {dimension_numbers = #tpu.dot_dimension_numbers<[1], [0], [0], [1], [0, 0, 1, 1], [], []>, transpose_lhs_hint = false} : vector<1280x128xf32>, vector<128x256xf32>, vector<1280x256xf32> -> vector<1280x256xf32>
    %get3A_6 = arith.constant 0 : index
    %get3A_7 = arith.constant 0 : index
    %get3A_8 = vector.load %arg2[%get3A_6, %get3A_7] : memref<1280x128xf32, #tpu.memory_space<vmem>>, vector<1280x128xf32>
    %get3A_9 = arith.constant 0 : index
    %get3A_10 = arith.constant 0 : index
    %get3A_11 = vector.load %arg5[%get3A_9, %get3A_10] : memref<128x256xf32, #tpu.memory_space<vmem>>, vector<128x256xf32>
    %dot_general3A_12 = arith.constant dense<0.000000e+00> : vector<1280x256xf32>
    %dot_general3A_13 = tpu.matmul %get3A_8, %get3A_11, %dot_general3A_12 {dimension_numbers = #tpu.dot_dimension_numbers<[1], [0], [0], [1], [0, 0, 1, 1], [], []>, transpose_lhs_hint = false} : vector<1280x128xf32>, vector<128x256xf32>, vector<1280x256xf32> -> vector<1280x256xf32>
    %add3A = arith.addf %dot_general3A_5, %dot_general3A_13 : vector<1280x256xf32>
    %get3A_14 = arith.constant 0 : index
    %get3A_15 = arith.constant 0 : index
    %get3A_16 = vector.load %arg3[%get3A_14, %get3A_15] : memref<1280x16xf32, #tpu.memory_space<vmem>>, vector<1280x16xf32>
    %get3A_17 = arith.constant 0 : index
    %get3A_18 = arith.constant 0 : index
    %get3A_19 = vector.load %arg6[%get3A_17, %get3A_18] : memref<16x256xf32, #tpu.memory_space<vmem>>, vector<16x256xf32>
    %dot_general3A_20 = arith.constant dense<0.000000e+00> : vector<1280x256xf32>
    %dot_general3A_21 = tpu.matmul %get3A_16, %get3A_19, %dot_general3A_20 {dimension_numbers = #tpu.dot_dimension_numbers<[1], [0], [0], [1], [0, 0, 1, 1], [], []>, transpose_lhs_hint = false} : vector<1280x16xf32>, vector<16x256xf32>, vector<1280x256xf32> -> vector<1280x256xf32>
    %add3A_22 = arith.addf %add3A, %dot_general3A_21 : vector<1280x256xf32>
    %get3A_23 = arith.constant 0 : index
    %get3A_24 = arith.constant 0 : index
    %get3A_25 = vector.load %arg7[%get3A_23, %get3A_24] : memref<1x256xf32, #tpu.memory_space<vmem>>, vector<1x256xf32>
    %add3A_26 = vector.broadcast %get3A_25 : vector<1x256xf32> to vector<1280x256xf32>
    %add3A_27 = arith.addf %add3A_22, %add3A_26 : vector<1280x256xf32>
    %max3A = arith.constant 0.000000e+00 : f32
    %max3A_28 = vector.broadcast %max3A : f32 to vector<1280x256xf32>
    %max3A_29 = arith.maximumf %add3A_27, %max3A_28 : vector<1280x256xf32>
    %get3A_30 = arith.constant 0 : index
    %get3A_31 = arith.constant 0 : index
    %get3A_32 = vector.load %arg8[%get3A_30, %get3A_31] : memref<256x16xf32, #tpu.memory_space<vmem>>, vector<256x16xf32>
    %dot_general3A_33 = arith.constant dense<0.000000e+00> : vector<1280x16xf32>
    %dot_general3A_34 = tpu.matmul %max3A_29, %get3A_32, %dot_general3A_33 {dimension_numbers = #tpu.dot_dimension_numbers<[1], [0], [0], [1], [0, 0, 1, 1], [], []>, transpose_lhs_hint = false} : vector<1280x256xf32>, vector<256x16xf32>, vector<1280x16xf32> -> vector<1280x16xf32>
    %get3A_35 = arith.constant 0 : index
    %get3A_36 = arith.constant 0 : index
    %get3A_37 = vector.load %arg9[%get3A_35, %get3A_36] : memref<1x16xf32, #tpu.memory_space<vmem>>, vector<1x16xf32>
    %add3A_38 = vector.broadcast %get3A_37 : vector<1x16xf32> to vector<1280x16xf32>
    %add3A_39 = arith.addf %dot_general3A_34, %add3A_38 : vector<1280x16xf32>
    %swap3A = arith.constant 0 : index
    %swap3A_40 = arith.constant 0 : index
    %swap3A_41 = vector.load %arg10[%swap3A, %swap3A_40] : memref<1280x16xf32, #tpu.memory_space<vmem>>, vector<1280x16xf32>
    tpu.vector_store %arg10[%swap3A, %swap3A_40], %add3A_39 {strides = array<i32>} : memref<1280x16xf32, #tpu.memory_space<vmem>>, vector<1280x16xf32>,
    return
  }
  func.func @transform_0(%arg0: i32) -> (i32, i32) {
    %c0_i32 = arith.constant 0 : i32
    %c0_i32_0 = arith.constant 0 : i32
    return %arg0, %c0_i32 : i32, i32
  }
  func.func @transform_1(%arg0: i32) -> (i32, i32) {
    %c0_i32 = arith.constant 0 : i32
    %c0_i32_0 = arith.constant 0 : i32
    return %arg0, %c0_i32 : i32, i32
  }
  func.func @transform_2(%arg0: i32) -> (i32, i32) {
    %c0_i32 = arith.constant 0 : i32
    %c0_i32_0 = arith.constant 0 : i32
    return %arg0, %c0_i32 : i32, i32
  }
  func.func @transform_3(%arg0: i32) -> (i32, i32) {
    %c0_i32 = arith.constant 0 : i32
    %c0_i32_0 = arith.constant 0 : i32
    %c0_i32_1 = arith.constant 0 : i32
    return %c0_i32, %c0_i32_0 : i32, i32
  }
  func.func @transform_4(%arg0: i32) -> (i32, i32) {
    %c0_i32 = arith.constant 0 : i32
    %c0_i32_0 = arith.constant 0 : i32
    %c0_i32_1 = arith.constant 0 : i32
    return %c0_i32, %c0_i32_0 : i32, i32
  }
  func.func @transform_5(%arg0: i32) -> (i32, i32) {
    %c0_i32 = arith.constant 0 : i32
    %c0_i32_0 = arith.constant 0 : i32
    %c0_i32_1 = arith.constant 0 : i32
    return %c0_i32, %c0_i32_0 : i32, i32
  }
  func.func @transform_6(%arg0: i32) -> (i32, i32) {
    %c0_i32 = arith.constant 0 : i32
    %c0_i32_0 = arith.constant 0 : i32
    %c0_i32_1 = arith.constant 0 : i32
    return %c0_i32, %c0_i32_0 : i32, i32
  }
  func.func @transform_7(%arg0: i32) -> (i32, i32) {
    %c0_i32 = arith.constant 0 : i32
    %c0_i32_0 = arith.constant 0 : i32
    %c0_i32_1 = arith.constant 0 : i32
    return %c0_i32, %c0_i32_0 : i32, i32
  }
  func.func @transform_8(%arg0: i32) -> (i32, i32) {
    %c0_i32 = arith.constant 0 : i32
    %c0_i32_0 = arith.constant 0 : i32
    %c0_i32_1 = arith.constant 0 : i32
    return %c0_i32, %c0_i32_0 : i32, i32
  }
  func.func @transform_9(%arg0: i32) -> (i32, i32) {
    %c0_i32 = arith.constant 0 : i32
    %c0_i32_0 = arith.constant 0 : i32
    return %arg0, %c0_i32 : i32, i32
  }
}

</mosaic_0001>

<sc_bundles>
// kernel: kernel.4.cloned.1.call-start
scs
__scs_entry_jumppad:
0x0: {  	(pc) =	sbr.rel $0x88, $3  }
0x1: {  	(tag) =	ssettag $0x0;
	lr =	simm.s32 $0x1  }
0x2: {  	[smem:$0x3F9A] =	sst lr;
	_ =	strace $0xD0000000  }
0x3: {  	_ = 	snop  }
0x4: {  	_ = 	snop  }
0x5: {  	_ = 	snop  }
0x6: {  	_ = 	snop  }
0x7: {  	_ = 	snop  }
__scs_overlays_trampoline_lowered:
0x8: {  	[smem:$0x3FA9] =	sst s0  }
0x9: {  	[smem:$0x3FAA] =	sst s1  }
0xa: {  	[smem:$0x3FAB] =	sst s2  }
0xb: {  	[smem:$0x3FAC] =	sst s3  }
0xc: {  	[smem:$0x3FAD] =	sst s4  }
0xd: {  	[smem:$0x3FAE] =	sst s5  }
0xe: {  	[smem:$0x3FAF] =	sst s6  }
0xf: {  	[smem:$0x3FB0] =	sst s7  }
0x10: {  	[smem:$0x3FB1] =	sst s8  }
0x11: {  	[smem:$0x3FB2] =	sst s9;
	s0 =	simm.s32 @!p0 $0x0  }
0x12: {  	s1 =	sld [smem:$0x3F98];
	s0 =	simm.s32 @p0 $0x1  }
0x13: {  	[smem:$0x3FB3] =	sst s0;
	s0 =	simm.s32 @!p1 $0x0  }
0x14: {  	s2 =	sld [smem:$0x3F97];
	s0 =	simm.s32 @p1 $0x1  }
0x15: {  	[smem:$0x3FB4] =	sst s0;
	s0 =	simm.s32 @!p2 $0x0  }
0x16: {  	s3 =	sld [smem:$0x3FDB];
	s0 =	simm.s32 @p2 $0x1  }
0x17: {  	s4 =	simm.s32 $0x1BF5;
	[smem:$0x3FB6] =	sst s0  }
0x18: {  	s0 =	sld [smem:$0x3F99];
	_ =	swait.ge [sflag:s4], $0x0  }
0x19: {  	s7 =	sld [smem:$0x3F9A]  }
0x1a: {  	s8 =	sadd.s32 $0xFFFFE003, lr  }
0x1b: {  	s9 =	sadd.s32 $0xFFFFFEF7, lr;
	s5 =	simm.s32 $0xFFFFFFFF;
	p2 =	slt.u32 s8, $0xFFFFF086  }
0x1c: {  	p1 =	slt.u32 s9, $0xF7A;
	s5 =	simm.s32 @!p2 $0x0  }
0x1d: {  	s5 =	simm.s32 @p1 $0x1;
	p0 =	seq.s32 s7, s2  }
0x1e: {  	s7 =	smul.u32 @!p0 $0xF7A, s2;
	p2 =	seq.s32 @!p0 s5, $0x0  }
0x1f: {  	s9 =	smul.u32 $0xF7A, s1;
	s8 =	simm.s32 @!p0 $0x1BF5;
	p2 =	por !p2, p0  }
0x20: {  	[sflag:s8] =	ssyncset.s32 @!p0 $0xFFFFF086;
	s6 =	sadd.s32 @!p0 s3, s7;
	s7 =	simm.s32 @!p0 $0x108  }
0x21: {  	s3 =	sadd.s32 s3, s9;
	s6 =	sadd.s32 @!p0 $0x88, s6;
	s7 =	simm.s32 @p2 $0x1082  }
0x22: {  	[simem:s7], [sflag:s8] =	dma.local @!p0 [hbm:s6], $0xF7A  }
0x23: {  	s9 =	sor.u32 $0xD0000000, s2;
	s6 =	simm.s32 $0x108;
	_ =	swait.ge @!p0 [sflag:s8], $0x0  }
0x24: {  	s3 =	sadd.s32 $0x88, s3;
	s6 =	simm.s32 @!p1 $0x1082;
	[sflag:s4] =	ssyncset.s32 $0xFFFFF086  }
0x25: {  	[simem:s6], [sflag:s4] =	dma.local [hbm:s3], $0xF7A  }
0x26: {  	[smem:$0x3F9A] =	sst s1;
	(tag) =	ssettag s2;
	_ =	strace s9  }
0x27: {  	s1 =	sld [smem:$0x3FAA]  }
0x28: {  	s2 =	sld [smem:$0x3FAB]  }
0x29: {  	s4 =	sld [smem:$0x3FAD]  }
0x2a: {  	p0 =	seq.s32 s5, $0x0;
	s5 =	sld [smem:$0x3FAE]  }
0x2b: {  	s6 =	sld [smem:$0x3FAF]  }
0x2c: {  	s7 =	sld [smem:$0x3FB0]  }
0x2d: {  	s3 =	simm.s32 $0x108;
	s8 =	sld [smem:$0x3FB1]  }
0x2e: {  	s3 =	simm.s32 @!p0 $0x1082;
	s9 =	sld [smem:$0x3FB2]  }
0x2f: {  	lr =	sadd.s32 s0, s3;
	s0 =	sld [smem:$0x3FA9]  }
0x30: {  	s3 =	sld [smem:$0x3FAC]  }
0x31: {  	[smem:$0x3FB5] =	sst s10  }
0x32: {  	s10 =	sld [smem:$0x3FB3];
	_ =	sdelay $0x3  }
0x33: {  	p0 =	seq.s32 s10, $0x1;
	s10 =	sld [smem:$0x3FB5];
	_ =	sdelay $0x3  }
0x34: {  	[smem:$0x3FB5] =	sst s10  }
0x35: {  	s10 =	sld [smem:$0x3FB4];
	_ =	sdelay $0x3  }
0x36: {  	p1 =	seq.s32 s10, $0x1;
	s10 =	sld [smem:$0x3FB5];
	_ =	sdelay $0x3  }
0x37: {  	[smem:$0x3FB5] =	sst s10  }
0x38: {  	s10 =	sld [smem:$0x3FB6]  }
0x39: {  	_ = 	snop;
	(pc) =	sbr.ind lr, $3  }
0x3a: {  	_ = 	snop  }
0x3b: {  	_ = 	snop  }
0x3c: {  	p2 =	seq.s32 s10, $0x1;
	s10 =	sld [smem:$0x3FB5]  }
0x3d: {  	_ =	shalt  }
0x3e: {  	_ =	shalt  }
0x3f: {  	_ =	shalt  }
0x40: {  	_ =	shalt  }
0x41: {  	_ =	shalt  }
0x42: {  	_ =	shalt  }
0x43: {  	_ =	shalt  }
0x44: {  	_ =	shalt  }
0x45: {  	_ =	shalt  }
0x46: {  	_ =	shalt  }
0x47: {  	_ =	shalt  }
0x48: {  	_ =	shalt  }
0x49: {  	_ =	shalt  }
0x4a: {  	_ =	shalt  }
0x4b: {  	_ =	shalt  }
0x4c: {  	_ =	shalt  }
0x4d: {  	_ =	shalt  }
0x4e: {  	_ =	shalt  }
0x4f: {  	_ =	shalt  }
0x50: {  	_ =	shalt  }
0x51: {  	_ =	shalt  }
0x52: {  	_ =	shalt  }
0x53: {  	_ =	shalt  }
0x54: {  	_ =	shalt  }
0x55: {  	_ =	shalt  }
0x56: {  	_ =	shalt  }
0x57: {  	_ =	shalt  }
0x58: {  	_ =	shalt  }
0x59: {  	_ =	shalt  }
0x5a: {  	_ =	shalt  }
0x5b: {  	_ =	shalt  }
0x5c: {  	_ =	shalt  }
0x5d: {  	_ =	shalt  }
0x5e: {  	_ =	shalt  }
0x5f: {  	_ =	shalt  }
0x60: {  	_ =	shalt  }
0x61: {  	_ =	shalt  }
0x62: {  	_ =	shalt  }
0x63: {  	_ =	shalt  }
0x64: {  	_ =	shalt  }
0x65: {  	_ =	shalt  }
0x66: {  	_ =	shalt  }
0x67: {  	_ =	shalt  }
0x68: {  	_ =	shalt  }
0x69: {  	_ =	shalt  }
0x6a: {  	_ =	shalt  }
0x6b: {  	_ =	shalt  }
0x6c: {  	_ =	shalt  }
0x6d: {  	_ =	shalt  }
0x6e: {  	_ =	shalt  }
0x6f: {  	_ =	shalt  }
0x70: {  	_ =	shalt  }
0x71: {  	_ =	shalt  }
0x72: {  	_ =	shalt  }
0x73: {  	_ =	shalt  }
0x74: {  	_ =	shalt  }
0x75: {  	_ =	shalt  }
0x76: {  	_ =	shalt  }
0x77: {  	_ =	shalt  }
0x78: {  	_ =	shalt  }
0x79: {  	_ =	shalt  }
0x7a: {  	_ =	shalt  }
0x7b: {  	_ =	shalt  }
0x7c: {  	_ =	shalt  }
0x7d: {  	_ =	shalt  }
0x7e: {  	_ =	shalt  }
0x7f: {  	_ =	shalt  }
0x80: {  	_ =	shalt  }
0x81: {  	_ =	shalt  }
0x82: {  	_ =	shalt  }
0x83: {  	_ =	shalt  }
0x84: {  	_ =	shalt  }
0x85: {  	_ =	shalt  }
0x86: {  	_ =	shalt  }
0x87: {  	_ =	shalt  }
.Lfunc_end0:
.L_simem_size_0:
called_computation_lowered:
.L_overlay_start_0:
0x88: {  	s2 =	sld [smem:$0x3FD9]  }
0x89: {  	s3 =	sld [smem:$0x3FFE];
	_ =	sdelay $0x1  }
0x8a: {  	s1 =	srdreg.scid  }
0x8b: {  	s0 =	sand.u32 $0x1, s1  }
0x8c: {  	s17 =	sshll.u32 s0, $0xA;
	s2 =	sadd.s32 s3, s2  }
0x8d: {  	s2 =	sadd.s32 s2, s17  }
0x8e: {  	[smem:$0x3FC1] =	sst s2  }
0x8f: {  	_ = 	snop  }
0x90: {  	s2 =	sld [smem:$0x3FC9]  }
0x91: {  	s18 =	sld [smem:$0x3FD0];
	(tm) =	ssettm $0x1  }
0x92: {  	s4 =	sld [smem:$0x3FFB];
	_ =	sdelay $0x3  }
0x93: {  	_ =	strace s4  }
0x94: {  	s4 =	sld [smem:$0x3FFC];
	_ =	sdelay $0x3  }
0x95: {  	_ =	strace s4  }
0x96: {  	s4 =	sld [smem:$0x3FFD];
	_ =	sdelay $0x3  }
0x97: {  	_ =	strace s4  }
0x98: {  	_ =	strace $0x8FFFFFFF  }
0x99: {  	s19 =	sld [smem:$0x3FDB];
	_ =	sdelay $0x1  }
0x9a: {  	s5 =	simm.s32 $_scs_section_size  }
0x9b: {  	s6 =	simm.s32 $_size__tile_overlayer_lowered;
	s7 =	simm.s32 $_tile_overlayer_lowered  }
0x9c: {  	s22 =	simm.s32 $0x1BFF;
	s21 =	sshll.u32 s7, $0x1;
	s4 =	sadd.s32 s5, s19  }
0x9d: {  	s8 =	simm.s32 $0x0;
	s20 =	sshll.u32 s6, $0x1;
	s6 =	sadd.s32 s21, s4  }
0x9e: {  	[timem:s8], [sflag:s22] =	dma.local [hbm:s6], s20  }
0x9f: {  	_ =	swait.ge [sflag:s22], s20  }
0xa0: {  	s5 =	ssub.s32 $0x0, s20;
	[sflag:s22] =	ssyncset.done $0x0  }
0xa1: {  	[sflag:s22] =	ssyncadd.s32 s5;
	_ =	sdelay $0x1  }
0xa2: {  	s23 =	simm.s32 $0x1B8B  }
0xa3: {  	_ =	swait.ge [sflag:s23], $0x1  }
0xa4: {  	[sflag:s23] =	ssyncset.done $0x0  }
0xa5: {  	s25 =	simm.s32 $0x1B8E;
	s24 =	sld [smem:$0x3FFE];
	[sflag:s23] =	ssyncadd.s32 $0xFFFFFFFF  }
0xa6: {  	s26 =	simm.s32 $execute0_lowered;
	[smem:$0x3FD2] =	sst s25  }
0xa7: {  	s6 =	sshll.u32 s26, $0x1;
	_ =	strace $0x80000046;
	[dreg:$0x1] =	wrdreg $0xFFFFFFFF  }
0xa8: {  	s28 =	simm.s32 $_size_execute0_lowered;
	s4 =	sadd.s32 s4, s6;
	[dreg:$0x0] =	wrdreg $0x0  }
0xa9: {  	s6 =	sshll.u32 s28, $0x1;
	[dreg:$0x2] =	wrdreg s4  }
0xaa: {  	[dreg:$0x3] =	wrdreg s6  }
0xab: {  	[dreg:$0x4] =	wrdreg $0xC0  }
0xac: {  	_ =	task [dreg:s8], $0x5FFFF  }
0xad: {  	[dreg:$0x1] =	wrdreg $0xFFFFFFFF  }
0xae: {  	[dreg:$0x0] =	wrdreg $0x60  }
0xaf: {  	[dreg:$0x2] =	wrdreg s24  }
0xb0: {  	[dreg:$0x3] =	wrdreg s18  }
0xb1: {  	[dreg:$0x4] =	wrdreg s2  }
0xb2: {  	[dreg:$0x5] =	wrdreg $0x9  }
0xb3: {  	_ =	task.clear_ibuf [dreg:s8], $0x6FFFF;
	_ =	strace $0x90000046  }
0xb4: {  	s29 =	simm.s32 $0x9;
	_ =	strace $0x80000048  }
0xb5: {  	_ =	swait.ge [sflag:s29], $0x1  }
0xb6: {  	[sflag:s29] =	ssyncadd.s32 $0xFFFFFFFF  }
0xb7: {  	_ =	strace $0x90000048  }
0xb8: {  	_ =	sfence  }
0xb9: {  	s30 =	sld [smem:$0x0];
	_ =	sdelay $0x2  }
0xba: {  	s31 =	sshll.u32 s1, $0xD;
	s1 =	sshrl.u32 s1, $0x2  }
0xbb: {  	s3 =	sand.u32 $0x4000, s31;
	s1 =	sadd.s32 s1, s30  }
0xbc: {  	s0 =	sor.u32 s3, s0;
	s1 =	sshll.u32 s1, $0x11  }
0xbd: {  	s0 =	sor.u32 s1, s0  }
0xbe: {  	s0 =	sadd.s32 $0x8F2B, s0  }
0xbf: {  	[sflag:s0] =	ssyncadd.remote.s32 $0x1  }
0xc0: {  	_ =	sfence.sel $0xFFFF  }
0xc1: {  	[dreg:$0x0] =	wrdreg $0xFFFFFFFF;
	(pc) =	sbr.abs _section_cstart, $3  }
0xc2: {  	[dreg:$0x1] =	wrdreg $0xFFFFFFFF  }
0xc3: {  	_ =	task.clear_ibuf [dreg:s8], $0x2FFFF;
	_ =	strace $0x9FFFFFFF  }
0xc4: {  	(tm) =	ssettm $0x7FFFFFFF  }
0xc5: {  	_ =	shalt  }
tec
execute0_lowered:
.L_overlay_start_1:
0x0: {  	(tag) =	ssettag $0x1  }
0x1: {  	s6 =	rddreg [dreg:$0x0]  }
0x2: {  	s1 =	rddreg [dreg:$0x1]  }
0x3: {  	s2 =	rddreg [dreg:$0x2]  }
0x4: {  	s0 =	rddreg [dreg:$0x3];
	s3 =	simm.s32 $0x0  }
0x5: {  	s4 =	srdreg.scid;
	s13 =	simm.s32 $0x100;
	s14 =	simm.s32 $0x4100  }
0x6: {  	s15 =	simm.s32 $0x1;
	s16 =	simm.s32 $0x2;
	s17 =	simm.s32 $0x0  }
0x7: {  	[smem:$0x7FF] =	sst s3;
	s7 =	sand.u32 $0x1, s4;
	s4 =	stileid.u32  }
0x8: {  	s5 =	sadd.s32 $0xC00, s6;
	_ =	strace $0x80000047;
	s8 =	ssub.s32 $0x2, s7  }
0x9: {  	s10 =	sshll.u32 s4, $0x1;
	s11 =	sshll.u32 s4, $0xC;
	s30 =	sshll.u32 s4, $0x8  }
0xa: {  	s31 =	sshll.u32 s7, $0x7;
	s12 =	sshll.u32 s7, $0xB;
	s9 =	sshrl.u32 s8, $0x1  }
0xb: {  	s26 =	sor.u32 s10, s7;
	s28 =	sadd.s32 s11, s6;
	s11 =	simm.s32 $0x3  }
0xc: {  	s8 =	ssub.s32 s8, s9;
	s29 =	ssub.s32 $0x9E3, s26;
	s10 =	sadd.s32 s12, s28  }
0xd: {  	s12 =	simm.s32 $0x80;
	s6 =	smax.u32 s8, $0x1;
	s7 =	sshrl.u32 s29, $0x5  }
0xe: {  	s8 =	sor.u32 s31, s30;
	s9 =	sadd.s32 $0xAA00, s10;
	s10 =	sadd.s32 $0x4ECA00, s10  }
.LBB2_1:
0xf: {  	p1 =	sne.s32 s7, $0x1  }
.Ltmp0:
0x10: {  	_ = 	snop;
	(pc) =	sbr.rel @!p1 .LBB2_2-.Ltmp0, $2  }
0x11: {  	_ =	sdelay $0x2  }
0x12: {  	s18 =	sadd.s32 $0xFFFFFFFF, s7;
	s22 =	sshrl.u32 s8, $0x3;
	p0 =	por $0x0, $0x0  }
0x13: {  	s19 =	sadd.s32 s5, s22  }
0x14: {  	[tilespmem:s3], [sflag:$0x3] =	stream.linear.gather [hbm4b:s19+s3], $0x80, $0x38;
	[tilespmem:$0x8100] =	vst v63  }
0x15: {  	_ =	swait.ge [sflag:s11], $0x80  }
0x16: {  	[sflag:s11] =	ssyncset.done $0x0  }
0x17: {  	s31 =	sadd.s32 s1, s22;
	[sflag:s11] =	ssyncadd.s32 $0xFFFFFF80  }
0x18: {  	[tilespmem:s12], [sflag:$0x3] =	stream.linear.gather [hbm4b:s31+s3], $0x80, $0x38;
	[tilespmem:$0x8100] =	vst v63  }
0x19: {  	_ =	swait.ge [sflag:s11], $0x80  }
0x1a: {  	[sflag:s11] =	ssyncset.done $0x0  }
0x1b: {  	[sflag:s11] =	ssyncadd.s32 $0xFFFFFF80  }
0x1c: {  	[tilespmem:s13], [sflag:$0x1] =	stream.indirect.gather [hbm4b:s2+s12], $0x80, s3, s12, $0xb8;
	[tilespmem:$0x8100] =	vst v63  }
0x1d: {  	_ = 	snop  }
0x1e: {  	[tilespmem:s14], [sflag:$0x2] =	stream.indirect.gather [hbm4b:s2+s12], $0x80, s12, s12, $0xb8;
	[tilespmem:$0x8100] =	vst v63  }
0x1f: {  	_ =	swait.ge [sflag:s15], $0x4000  }
0x20: {  	[sflag:s15] =	ssyncset.done $0x0  }
0x21: {  	[sflag:s15] =	ssyncadd.s32 $0xFFFFC000  }
0x22: {  	_ =	swait.ge [sflag:s16], $0x4000  }
0x23: {  	[sflag:s16] =	ssyncset.done $0x0  }
0x24: {  	[sflag:s16] =	ssyncadd.s32 $0xFFFFC000  }
0x25: {  	[hbm4b:s9+s3] =	stream.linear.scatter [tilespmem:s13], [sflag:$0x3], $0x4000, $0x38;
	[tilespmem:$0x8100] =	vst v63  }
0x26: {  	p1 =	sne.s32 s18, $0x1;
	_ =	swait.ge [sflag:s11], $0x4000  }
.Ltmp1:
0x27: {  	[sflag:s11] =	ssyncset.done $0x0;
	(pc) =	sbr.rel @!p1 .LBB2_4-.Ltmp1, $4  }
0x28: {  	s20 =	sadd.s32 $0x1000, s8;
	s21 =	sadd.s32 $0xFFFFFFFF, s18;
	[sflag:s11] =	ssyncadd.s32 $0xFFFFC000  }
0x29: {  	[hbm4b:s10+s3] =	stream.linear.scatter [tilespmem:s14], [sflag:$0x3], $0x4000, $0x38;
	[tilespmem:$0x8100] =	vst v63  }
0x2a: {  	s18 =	sadd.s32 $0x10000, s10;
	p0 =	por $0x1, $0x1;
	_ =	swait.ge [sflag:s11], $0x4000  }
0x2b: {  	s22 =	sshrl.u32 s20, $0x3;
	s19 =	smov.u32 s9;
	[sflag:s11] =	ssyncset.done $0x0  }
.LBB2_5:
0x2c: {  	s23 =	sadd.s32 s5, s22;
	[sflag:s11] =	ssyncadd.s32 $0xFFFFC000;
	s19 =	sadd.s32 $0x10000, s19  }
0x2d: {  	[tilespmem:s3], [sflag:$0x3] =	stream.linear.gather [hbm4b:s23+s3], $0x80, $0x38;
	[tilespmem:$0x8100] =	vst v63  }
0x2e: {  	p1 =	sne.s32 s21, $0x1;
	s21 =	sadd.s32 $0xFFFFFFFF, s21;
	_ =	swait.ge [sflag:s11], $0x80  }
0x2f: {  	[sflag:s11] =	ssyncset.done $0x0  }
0x30: {  	s22 =	sadd.s32 s1, s22;
	[sflag:s11] =	ssyncadd.s32 $0xFFFFFF80  }
0x31: {  	[tilespmem:s12], [sflag:$0x3] =	stream.linear.gather [hbm4b:s22+s3], $0x80, $0x38;
	[tilespmem:$0x8100] =	vst v63  }
0x32: {  	_ =	swait.ge [sflag:s11], $0x80  }
0x33: {  	[sflag:s11] =	ssyncset.done $0x0  }
0x34: {  	[sflag:s11] =	ssyncadd.s32 $0xFFFFFF80  }
0x35: {  	[tilespmem:s13], [sflag:$0x1] =	stream.indirect.gather [hbm4b:s2+s12], $0x80, s3, s12, $0xb8;
	[tilespmem:$0x8100] =	vst v63  }
0x36: {  	_ = 	snop  }
0x37: {  	[tilespmem:s14], [sflag:$0x2] =	stream.indirect.gather [hbm4b:s2+s12], $0x80, s12, s12, $0xb8;
	[tilespmem:$0x8100] =	vst v63  }
0x38: {  	_ =	swait.ge [sflag:s15], $0x4000  }
0x39: {  	[sflag:s15] =	ssyncset.done $0x0  }
0x3a: {  	[sflag:s15] =	ssyncadd.s32 $0xFFFFC000  }
0x3b: {  	_ =	swait.ge [sflag:s16], $0x4000  }
0x3c: {  	[sflag:s16] =	ssyncset.done $0x0  }
0x3d: {  	[sflag:s16] =	ssyncadd.s32 $0xFFFFC000  }
0x3e: {  	[hbm4b:s19+s3] =	stream.linear.scatter [tilespmem:s13], [sflag:$0x3], $0x4000, $0x38;
	[tilespmem:$0x8100] =	vst v63  }
0x3f: {  	_ =	swait.ge [sflag:s11], $0x4000  }
.Ltmp2:
0x40: {  	[sflag:s11] =	ssyncset.done $0x0;
	(pc) =	sbr.rel @p1 .LBB2_5-.Ltmp2, $4  }
0x41: {  	[sflag:s11] =	ssyncadd.s32 $0xFFFFC000  }
0x42: {  	[hbm4b:s18+s3] =	stream.linear.scatter [tilespmem:s14], [sflag:$0x3], $0x4000, $0x38;
	[tilespmem:$0x8100] =	vst v63  }
0x43: {  	s20 =	sadd.s32 $0x1000, s20;
	_ =	swait.ge [sflag:s11], $0x4000  }
0x44: {  	s22 =	sshrl.u32 s20, $0x3;
	s18 =	sadd.s32 $0x10000, s18;
	[sflag:s11] =	ssyncset.done $0x0  }
.LBB2_6:
0x45: {  	s20 =	sadd.s32 s5, s22;
	[sflag:s11] =	ssyncadd.s32 @p0 $0xFFFFC000  }
0x46: {  	[tilespmem:s3], [sflag:$0x3] =	stream.linear.gather [hbm4b:s20+s3], $0x80, $0x38;
	[tilespmem:$0x8100] =	vst v63  }
0x47: {  	_ =	swait.ge [sflag:s11], $0x80  }
0x48: {  	[sflag:s11] =	ssyncset.done $0x0  }
0x49: {  	s31 =	sadd.s32 s1, s22;
	[sflag:s11] =	ssyncadd.s32 $0xFFFFFF80  }
0x4a: {  	[tilespmem:s12], [sflag:$0x3] =	stream.linear.gather [hbm4b:s31+s3], $0x80, $0x38;
	[tilespmem:$0x8100] =	vst v63  }
0x4b: {  	_ =	swait.ge [sflag:s11], $0x80  }
0x4c: {  	[sflag:s11] =	ssyncset.done $0x0  }
0x4d: {  	[sflag:s11] =	ssyncadd.s32 $0xFFFFFF80  }
0x4e: {  	[tilespmem:s13], [sflag:$0x1] =	stream.indirect.gather [hbm4b:s2+s12], $0x80, s3, s12, $0xb8;
	[tilespmem:$0x8100] =	vst v63  }
0x4f: {  	_ = 	snop  }
0x50: {  	[tilespmem:s14], [sflag:$0x2] =	stream.indirect.gather [hbm4b:s2+s12], $0x80, s12, s12, $0xb8;
	[tilespmem:$0x8100] =	vst v63  }
0x51: {  	_ =	swait.ge [sflag:s15], $0x4000  }
0x52: {  	[sflag:s15] =	ssyncset.done $0x0  }
0x53: {  	[sflag:s15] =	ssyncadd.s32 $0xFFFFC000  }
0x54: {  	_ =	swait.ge [sflag:s16], $0x4000  }
0x55: {  	s19 =	sadd.s32 @p0 $0x10000, s19;
	s20 =	smov.u32 s9;
	[sflag:s16] =	ssyncset.done $0x0  }
0x56: {  	s20 =	smov.u32 @p0 s19;
	[sflag:s16] =	ssyncadd.s32 $0xFFFFC000  }
0x57: {  	[hbm4b:s20+s3] =	stream.linear.scatter [tilespmem:s13], [sflag:$0x3], $0x4000, $0x38;
	[tilespmem:$0x8100] =	vst v63  }
0x58: {  	_ =	swait.ge [sflag:s11], $0x4000  }
0x59: {  	s17 =	sadd.s32 $0x1, s17;
	[sflag:s11] =	ssyncset.done $0x0  }
0x5a: {  	p0 =	sne.s32 s17, s6;
	[sflag:s11] =	ssyncadd.s32 $0xFFFFC000  }
0x5b: {  	[hbm4b:s18+s3] =	stream.linear.scatter [tilespmem:s14], [sflag:$0x3], $0x4000, $0x38;
	[tilespmem:$0x8100] =	vst v63  }
.Ltmp3:
0x5c: {  	_ = 	snop;
	(pc) =	sbr.rel @p0 .LBB2_1-.Ltmp3, $4  }
.Ltmp4:
0x5d: {  	_ = 	snop;
	(pc) =	sbr.rel @!p0 .LBB2_7-.Ltmp4, $4  }
0x5e: {  	_ =	swait.ge [sflag:s11], $0x4000  }
0x5f: {  	[sflag:s11] =	ssyncset.done $0x0  }
0x60: {  	[sflag:s11] =	ssyncadd.s32 $0xFFFFC000  }
0x61: {  	_ = 	snop  }
.LBB2_2:
.Ltmp5:
0x62: {  	(pc) =	sbr.rel .LBB2_6-.Ltmp5, $2  }
0x63: {  	_ =	sdelay $0x2  }
0x64: {  	s19 =	smov.u32 s9;
	s18 =	smov.u32 s10  }
.LBB2_4:
.Ltmp6:
0x65: {  	(pc) =	sbr.rel .LBB2_6-.Ltmp6, $2  }
0x66: {  	_ =	sdelay $0x2  }
0x67: {  	s19 =	smov.u32 s9  }
.LBB2_7:
0x68: {  	_ =	sfence.sel $0x180000  }
0x69: {  	[bflag:$0x0] =	sbarrier.arrive $0xFFFF  }
0x6a: {  	p0 =	sne.s32 s4, $0x0;
	_ =	strace $0x90000047  }
0x6b: {  	s0 =	sadd.s32 @!p0 $0x100000, s0;
	[bflag:$0x2] =	sbarrier.arrive $0xFFFF  }
0x6c: {  	[sflag:s0] =	ssyncadd.tile.s32 @!p0 $0x1;
	_ =	shalt  }
.Lfunc_end2:
_tile_overlayer_lowered:
.L_overlay_start_2:
0x6d: {  	(tag) =	ssettag $0x2  }
0x6e: {  	s0 =	rddreg [dreg:$0x0];
	s2 =	stileid.u32  }
0x6f: {  	s1 =	rddreg [dreg:$0x1];
	p0 =	sne.s32 s2, $0x0  }
0x70: {  	s3 =	rddreg [dreg:$0x2];
	[bflag:$0x3] =	sbarrier.arrive $0xFFFF;
	s2 =	simm.s32 @!p0 $0x1C03  }
0x71: {  	[timem:s3], [sflag:s2] =	dma.local @!p0 [hbm:s0], s1  }
0x72: {  	s0 =	simm.s32 @!p0 $0x3  }
0x73: {  	_ =	swait.ge @!p0 [sflag:s0], s1  }
0x74: {  	s1 =	ssub.s32 @!p0 $0x0, s1;
	[sflag:s0] =	ssyncset.done @!p0 $0x0  }
0x75: {  	[sflag:s0] =	ssyncadd.s32 @!p0 s1  }
0x76: {  	[bflag:$0x3] =	sbarrier.arrive $0xFFFF  }
0x77: {  	_ =	shalt  }

</sc_bundles>
